<compile_context>
chip_gen: v7x
topology: tpu7x:2x2x1
jax: 0.10.2.dev20260603
libtpu: 0.0.44.dev20260713+nightly
codegen_flags: <defaults>
</compile_context>

<pallas_src>
import jax
import jax.numpy as jnp
from jax.experimental import pallas as pl
from jax.experimental.pallas import tpu as pltpu
from jax.experimental.pallas import tpu_sc as plsc

N = 100000
STATIC_DIM = 128
DYNAMIC_DIM = 128
OUT_DIM = STATIC_DIM + DYNAMIC_DIM

TC_ROWS = 60000
TC_BLOCK = 4000
SC_ROWS = N - TC_ROWS

SC_CHUNK = 200
N_SC_CHUNKS = SC_ROWS // SC_CHUNK
N_WORKERS = 32


def _tc_block_body(a_ref, b_ref, o_ref, sem_a, sem_b):
    ca = pltpu.make_async_copy(a_ref, o_ref.at[:, pl.ds(0, STATIC_DIM)], sem_a)
    cb = pltpu.make_async_copy(
        b_ref, o_ref.at[:, pl.ds(STATIC_DIM, DYNAMIC_DIM)], sem_b)
    ca.start()
    cb.start()
    ca.wait()
    cb.wait()


def _sc_body(a_hbm, b_hbm, o_hbm):
    def scoped(abuf, bbuf, sems):
        w = jax.lax.axis_index("core") * 16 + jax.lax.axis_index("subcore")

        @pl.loop(w, N_SC_CHUNKS, step=N_WORKERS)
        def _(c):
            src = pl.ds(pl.multiple_of(TC_ROWS + c * SC_CHUNK, 8), SC_CHUNK)
            dst = pl.ds(pl.multiple_of(c * SC_CHUNK, 8), SC_CHUNK)
            ia = pltpu.make_async_copy(a_hbm.at[src, :], abuf, sems.at[0])
            ib = pltpu.make_async_copy(b_hbm.at[src, :], bbuf, sems.at[1])
            ia.start()
            ib.start()
            ia.wait()
            ib.wait()
            oa = pltpu.make_async_copy(
                abuf, o_hbm.at[dst, pl.ds(0, STATIC_DIM)], sems.at[0])
            ob = pltpu.make_async_copy(
                bbuf, o_hbm.at[dst, pl.ds(STATIC_DIM, DYNAMIC_DIM)],
                sems.at[1])
            oa.start()
            ob.start()
            oa.wait()
            ob.wait()

    pl.run_scoped(
        scoped,
        pltpu.VMEM((SC_CHUNK, STATIC_DIM), jnp.float32),
        pltpu.VMEM((SC_CHUNK, DYNAMIC_DIM), jnp.float32),
        pltpu.SemaphoreType.DMA((2,)),
    )


def kernel(static_emb, dynamic_emb):
    tc_out = pl.pallas_call(
        _tc_block_body,
        grid=(TC_ROWS // TC_BLOCK,),
        in_specs=[
            pl.BlockSpec((TC_BLOCK, STATIC_DIM), lambda i: (i, 0)),
            pl.BlockSpec((TC_BLOCK, DYNAMIC_DIM), lambda i: (i, 0)),
        ],
        out_specs=pl.BlockSpec((TC_BLOCK, OUT_DIM), lambda i: (i, 0)),
        out_shape=jax.ShapeDtypeStruct((TC_ROWS, OUT_DIM), jnp.float32),
        scratch_shapes=[pltpu.SemaphoreType.DMA, pltpu.SemaphoreType.DMA],
    )(static_emb, dynamic_emb)

    sc_mesh = plsc.VectorSubcoreMesh(core_axis_name="core",
                                     subcore_axis_name="subcore")
    sc_out = pl.kernel(
        _sc_body,
        out_type=jax.ShapeDtypeStruct((SC_ROWS, OUT_DIM), jnp.float32),
        mesh=sc_mesh,
    )(static_emb, dynamic_emb)

    return jnp.concatenate([tc_out, sc_out], axis=0)

# --- scband reference (transcript-rebuilt; emitter-appended) ---
"""Pipeline reference for scband-combiner-48610439856742 (READ-ONLY COPY).

The authoritative reference and input builder live on the scoring server;
editing this copy changes nothing except your own understanding.
"""

import jax, jax.numpy as jnp
import numpy as np

N = 100000
STATIC_DIM = 128
DYNAMIC_DIM = 128


def setup_inputs(seed: int = 0) -> dict:
    key = jax.random.key(seed)
    k1, k2 = jax.random.split(key)
    static_emb = jax.random.normal(k1, (N, STATIC_DIM), dtype=jnp.float32)
    dynamic_emb = jax.random.normal(k2, (N, DYNAMIC_DIM), dtype=jnp.float32)
    return {"static_emb": static_emb, "dynamic_emb": dynamic_emb}


def reference(static_emb, dynamic_emb):
    # graph_conv is None -> do_graph_conv is identity for both embeddings.
    # dropout p=0.0 -> identity.
    # StaticDynamicCombiner mode='concat' -> concat along dim 1.
    return jnp.concatenate([static_emb, dynamic_emb], axis=1)

if __name__ == "__main__":
    import jax
    _d = setup_inputs()
    print(jax.jit(kernel)(*tuple(_d.values())))

</pallas_src>

<mosaic_0001>
#map = affine_map<(d0, d1) -> (0, 0)>
module attributes {stable_mosaic.version = 14 : i64} {
  func.func @_sc_body(%arg0: i32, %arg1: i32, %arg2: memref<100000x128xf32, #tpu.memory_space<hbm>>, %arg3: memref<100000x128xf32, #tpu.memory_space<hbm>>, %arg4: memref<40000x256xf32, #tpu.memory_space<hbm>>) attributes {dimension_semantics = [#tpu.dimension_semantics<core_parallel>, #tpu.dimension_semantics<subcore_parallel>], iteration_bounds = array<i64: 2, 16>, scalar_prefetch = 0 : i64, scratch_operands = 0 : i64, tpu.core_type = #tpu.core_type<sc_vector_subcore>, window_params = [{transform_indices = #map}, {transform_indices = #map}, {transform_indices = #map}]} {
    "tpu.region"() ({
      %run_scoped3A = memref.alloca() : memref<200x128xf32, #tpu.memory_space<vmem>>
      %run_scoped3A_0 = memref.alloca() : memref<200x128xf32, #tpu.memory_space<vmem>>
      %run_scoped3A_1 = tpu.sem_alloc : memref<2x!tpu.dma_semaphore, #tpu.memory_space<semaphore_mem>>
      %mul3A = arith.constant 16 : i32
      %mul3A_2 = arith.muli %arg0, %mul3A : i32
      %add3A = arith.addi %mul3A_2, %arg1 : i32
      %sub3A = arith.constant 200 : i32
      %sub3A_3 = arith.subi %sub3A, %add3A : i32
      %sub3A_4 = arith.constant 32 : i32
      %sub3A_5 = arith.constant 1 : i32
      %sub3A_6 = arith.subi %sub3A_4, %sub3A_5 : i32
      %add3A_7 = arith.addi %sub3A_3, %sub3A_6 : i32
      %div3A = arith.constant 32 : i32
      %div3A_8 = arith.divsi %add3A_7, %div3A : i32
      %while3A = arith.constant 32 : i32
      %while3A_9 = arith.constant 0 : i32
      %while3A_10 = arith.subi %div3A_8, %while3A_9 : i32
      %while3A_11 = arith.addi %while3A_9, %while3A_10 : i32
      %while3A_12 = arith.constant 1 : i32
      %while3A_13 = arith.divsi %while3A_10, %while3A_12 : i32
      %while3A_14 = arith.muli %while3A_13, %while3A_12 : i32
      %while3A_15 = arith.addi %while3A_9, %while3A_14 : i32
      %while3A_16 = arith.constant 1 : i32
      scf.for %while3A_18 = %while3A_9 to %while3A_15 step %while3A_16  : i32 {
        %mul3A_19 = arith.muli %while3A_18, %while3A : i32
        %add3A_20 = arith.addi %add3A, %mul3A_19 : i32
        %mul3A_21 = arith.constant 200 : i32
        %mul3A_22 = arith.muli %add3A_20, %mul3A_21 : i32
        %add3A_23 = arith.constant 60000 : i32
        %add3A_24 = arith.addi %add3A_23, %mul3A_22 : i32
        %multiple_of3A = tpu.assume_multiple %add3A_24, 8 : i32
        %mul3A_25 = arith.constant 200 : i32
        %mul3A_26 = arith.muli %add3A_20, %mul3A_25 : i32
        %multiple_of3A_27 = tpu.assume_multiple %mul3A_26, 8 : i32
        %dma_start3A = arith.constant 0 : i32
        %dma_start3A_28 = arith.constant 0 : i32
        %dma_start3A_29 = tpu.memref_slice %arg2[%multiple_of3A, %dma_start3A_28] : memref<100000x128xf32, #tpu.memory_space<hbm>> -> memref<200x128xf32, #tpu.memory_space<hbm>>
        %dma_start3A_30 = tpu.memref_slice %run_scoped3A_1[%dma_start3A] : memref<2x!tpu.dma_semaphore, #tpu.memory_space<semaphore_mem>> -> memref<1x!tpu.dma_semaphore, #tpu.memory_space<semaphore_mem>>
        %dma_start3A_31 = tpu.memref_squeeze %dma_start3A_30 : memref<1x!tpu.dma_semaphore, #tpu.memory_space<semaphore_mem>> -> memref<!tpu.dma_semaphore, #tpu.memory_space<semaphore_mem>>
        %dma_start3A_32 = arith.constant 0 : i32
        %dma_start3A_33 = tpu.memref_slice %arg2[%multiple_of3A, %dma_start3A_32] : memref<100000x128xf32, #tpu.memory_space<hbm>> -> memref<200x128xf32, #tpu.memory_space<hbm>>
        tpu.enqueue_dma source(%dma_start3A_33 : memref<200x128xf32, #tpu.memory_space<hbm>>) target(%run_scoped3A : memref<200x128xf32, #tpu.memory_space<vmem>>) target_semaphore(%dma_start3A_31 : memref<!tpu.dma_semaphore, #tpu.memory_space<semaphore_mem>>)
        %dma_start3A_34 = arith.constant 1 : i32
        %dma_start3A_35 = arith.constant 0 : i32
        %dma_start3A_36 = tpu.memref_slice %arg3[%multiple_of3A, %dma_start3A_35] : memref<100000x128xf32, #tpu.memory_space<hbm>> -> memref<200x128xf32, #tpu.memory_space<hbm>>
        %dma_start3A_37 = tpu.memref_slice %run_scoped3A_1[%dma_start3A_34] : memref<2x!tpu.dma_semaphore, #tpu.memory_space<semaphore_mem>> -> memref<1x!tpu.dma_semaphore, #tpu.memory_space<semaphore_mem>>
        %dma_start3A_38 = tpu.memref_squeeze %dma_start3A_37 : memref<1x!tpu.dma_semaphore, #tpu.memory_space<semaphore_mem>> -> memref<!tpu.dma_semaphore, #tpu.memory_space<semaphore_mem>>
        %dma_start3A_39 = arith.constant 0 : i32
        %dma_start3A_40 = tpu.memref_slice %arg3[%multiple_of3A, %dma_start3A_39] : memref<100000x128xf32, #tpu.memory_space<hbm>> -> memref<200x128xf32, #tpu.memory_space<hbm>>
        tpu.enqueue_dma source(%dma_start3A_40 : memref<200x128xf32, #tpu.memory_space<hbm>>) target(%run_scoped3A_0 : memref<200x128xf32, #tpu.memory_space<vmem>>) target_semaphore(%dma_start3A_38 : memref<!tpu.dma_semaphore, #tpu.memory_space<semaphore_mem>>)
        %dma_wait3A = arith.constant 0 : i32
        %dma_wait3A_41 = arith.constant 0 : i32
        %dma_wait3A_42 = tpu.memref_slice %arg2[%multiple_of3A, %dma_wait3A_41] : memref<100000x128xf32, #tpu.memory_space<hbm>> -> memref<200x128xf32, #tpu.memory_space<hbm>>
        %dma_wait3A_43 = tpu.memref_slice %run_scoped3A_1[%dma_wait3A] : memref<2x!tpu.dma_semaphore, #tpu.memory_space<semaphore_mem>> -> memref<1x!tpu.dma_semaphore, #tpu.memory_space<semaphore_mem>>
        %dma_wait3A_44 = tpu.memref_squeeze %dma_wait3A_43 : memref<1x!tpu.dma_semaphore, #tpu.memory_space<semaphore_mem>> -> memref<!tpu.dma_semaphore, #tpu.memory_space<semaphore_mem>>
        %dma_wait3A_45 = arith.constant 0 : i32
        %dma_wait3A_46 = tpu.memref_slice %arg2[%multiple_of3A, %dma_wait3A_45] : memref<100000x128xf32, #tpu.memory_space<hbm>> -> memref<200x128xf32, #tpu.memory_space<hbm>>
        tpu.wait_dma2 semaphore(%dma_wait3A_44 : memref<!tpu.dma_semaphore, #tpu.memory_space<semaphore_mem>>) src(%dma_wait3A_46 : memref<200x128xf32, #tpu.memory_space<hbm>>) dst(%run_scoped3A : memref<200x128xf32, #tpu.memory_space<vmem>>)
        %dma_wait3A_47 = arith.constant 1 : i32
        %dma_wait3A_48 = arith.constant 0 : i32
        %dma_wait3A_49 = tpu.memref_slice %arg3[%multiple_of3A, %dma_wait3A_48] : memref<100000x128xf32, #tpu.memory_space<hbm>> -> memref<200x128xf32, #tpu.memory_space<hbm>>
        %dma_wait3A_50 = tpu.memref_slice %run_scoped3A_1[%dma_wait3A_47] : memref<2x!tpu.dma_semaphore, #tpu.memory_space<semaphore_mem>> -> memref<1x!tpu.dma_semaphore, #tpu.memory_space<semaphore_mem>>
        %dma_wait3A_51 = tpu.memref_squeeze %dma_wait3A_50 : memref<1x!tpu.dma_semaphore, #tpu.memory_space<semaphore_mem>> -> memref<!tpu.dma_semaphore, #tpu.memory_space<semaphore_mem>>
        %dma_wait3A_52 = arith.constant 0 : i32
        %dma_wait3A_53 = tpu.memref_slice %arg3[%multiple_of3A, %dma_wait3A_52] : memref<100000x128xf32, #tpu.memory_space<hbm>> -> memref<200x128xf32, #tpu.memory_space<hbm>>
        tpu.wait_dma2 semaphore(%dma_wait3A_51 : memref<!tpu.dma_semaphore, #tpu.memory_space<semaphore_mem>>) src(%dma_wait3A_53 : memref<200x128xf32, #tpu.memory_space<hbm>>) dst(%run_scoped3A_0 : memref<200x128xf32, #tpu.memory_space<vmem>>)
        %dma_start3A_54 = arith.constant 0 : i32
        %dma_start3A_55 = arith.constant 0 : i32
        %dma_start3A_56 = tpu.memref_slice %arg4[%multiple_of3A_27, %dma_start3A_55] : memref<40000x256xf32, #tpu.memory_space<hbm>> -> memref<200x128xf32, #tpu.memory_space<hbm>>
        %dma_start3A_57 = tpu.memref_slice %run_scoped3A_1[%dma_start3A_54] : memref<2x!tpu.dma_semaphore, #tpu.memory_space<semaphore_mem>> -> memref<1x!tpu.dma_semaphore, #tpu.memory_space<semaphore_mem>>
        %dma_start3A_58 = tpu.memref_squeeze %dma_start3A_57 : memref<1x!tpu.dma_semaphore, #tpu.memory_space<semaphore_mem>> -> memref<!tpu.dma_semaphore, #tpu.memory_space<semaphore_mem>>
        %dma_start3A_59 = arith.constant 0 : i32
        %dma_start3A_60 = tpu.memref_slice %arg4[%multiple_of3A_27, %dma_start3A_59] : memref<40000x256xf32, #tpu.memory_space<hbm>> -> memref<200x128xf32, #tpu.memory_space<hbm>>
        tpu.enqueue_dma source(%run_scoped3A : memref<200x128xf32, #tpu.memory_space<vmem>>) target(%dma_start3A_60 : memref<200x128xf32, #tpu.memory_space<hbm>>) target_semaphore(%dma_start3A_58 : memref<!tpu.dma_semaphore, #tpu.memory_space<semaphore_mem>>)
        %dma_start3A_61 = arith.constant 1 : i32
        %dma_start3A_62 = arith.constant 128 : i32
        %dma_start3A_63 = tpu.memref_slice %arg4[%multiple_of3A_27, %dma_start3A_62] : memref<40000x256xf32, #tpu.memory_space<hbm>> -> memref<200x128xf32, #tpu.memory_space<hbm>>
        %dma_start3A_64 = tpu.memref_slice %run_scoped3A_1[%dma_start3A_61] : memref<2x!tpu.dma_semaphore, #tpu.memory_space<semaphore_mem>> -> memref<1x!tpu.dma_semaphore, #tpu.memory_space<semaphore_mem>>
        %dma_start3A_65 = tpu.memref_squeeze %dma_start3A_64 : memref<1x!tpu.dma_semaphore, #tpu.memory_space<semaphore_mem>> -> memref<!tpu.dma_semaphore, #tpu.memory_space<semaphore_mem>>
        %dma_start3A_66 = arith.constant 128 : i32
        %dma_start3A_67 = tpu.memref_slice %arg4[%multiple_of3A_27, %dma_start3A_66] : memref<40000x256xf32, #tpu.memory_space<hbm>> -> memref<200x128xf32, #tpu.memory_space<hbm>>
        tpu.enqueue_dma source(%run_scoped3A_0 : memref<200x128xf32, #tpu.memory_space<vmem>>) target(%dma_start3A_67 : memref<200x128xf32, #tpu.memory_space<hbm>>) target_semaphore(%dma_start3A_65 : memref<!tpu.dma_semaphore, #tpu.memory_space<semaphore_mem>>)
        %dma_wait3A_68 = arith.constant 0 : i32
        %dma_wait3A_69 = arith.constant 0 : i32
        %dma_wait3A_70 = tpu.memref_slice %arg4[%multiple_of3A_27, %dma_wait3A_69] : memref<40000x256xf32, #tpu.memory_space<hbm>> -> memref<200x128xf32, #tpu.memory_space<hbm>>
        %dma_wait3A_71 = tpu.memref_slice %run_scoped3A_1[%dma_wait3A_68] : memref<2x!tpu.dma_semaphore, #tpu.memory_space<semaphore_mem>> -> memref<1x!tpu.dma_semaphore, #tpu.memory_space<semaphore_mem>>
        %dma_wait3A_72 = tpu.memref_squeeze %dma_wait3A_71 : memref<1x!tpu.dma_semaphore, #tpu.memory_space<semaphore_mem>> -> memref<!tpu.dma_semaphore, #tpu.memory_space<semaphore_mem>>
        %dma_wait3A_73 = arith.constant 0 : i32
        %dma_wait3A_74 = tpu.memref_slice %arg4[%multiple_of3A_27, %dma_wait3A_73] : memref<40000x256xf32, #tpu.memory_space<hbm>> -> memref<200x128xf32, #tpu.memory_space<hbm>>
        tpu.wait_dma2 semaphore(%dma_wait3A_72 : memref<!tpu.dma_semaphore, #tpu.memory_space<semaphore_mem>>) src(%run_scoped3A : memref<200x128xf32, #tpu.memory_space<vmem>>) dst(%dma_wait3A_74 : memref<200x128xf32, #tpu.memory_space<hbm>>)
        %dma_wait3A_75 = arith.constant 1 : i32
        %dma_wait3A_76 = arith.constant 128 : i32
        %dma_wait3A_77 = tpu.memref_slice %arg4[%multiple_of3A_27, %dma_wait3A_76] : memref<40000x256xf32, #tpu.memory_space<hbm>> -> memref<200x128xf32, #tpu.memory_space<hbm>>
        %dma_wait3A_78 = tpu.memref_slice %run_scoped3A_1[%dma_wait3A_75] : memref<2x!tpu.dma_semaphore, #tpu.memory_space<semaphore_mem>> -> memref<1x!tpu.dma_semaphore, #tpu.memory_space<semaphore_mem>>
        %dma_wait3A_79 = tpu.memref_squeeze %dma_wait3A_78 : memref<1x!tpu.dma_semaphore, #tpu.memory_space<semaphore_mem>> -> memref<!tpu.dma_semaphore, #tpu.memory_space<semaphore_mem>>
        %dma_wait3A_80 = arith.constant 128 : i32
        %dma_wait3A_81 = tpu.memref_slice %arg4[%multiple_of3A_27, %dma_wait3A_80] : memref<40000x256xf32, #tpu.memory_space<hbm>> -> memref<200x128xf32, #tpu.memory_space<hbm>>
        tpu.wait_dma2 semaphore(%dma_wait3A_79 : memref<!tpu.dma_semaphore, #tpu.memory_space<semaphore_mem>>) src(%run_scoped3A_0 : memref<200x128xf32, #tpu.memory_space<vmem>>) dst(%dma_wait3A_81 : memref<200x128xf32, #tpu.memory_space<hbm>>)
      }
      %while3A_17 = arith.constant 1 : i32
      scf.for %while3A_18 = %while3A_15 to %while3A_11 step %while3A_17  : i32 {
        %mul3A_19 = arith.muli %while3A_18, %while3A : i32
        %add3A_20 = arith.addi %add3A, %mul3A_19 : i32
        %mul3A_21 = arith.constant 200 : i32
        %mul3A_22 = arith.muli %add3A_20, %mul3A_21 : i32
        %add3A_23 = arith.constant 60000 : i32
        %add3A_24 = arith.addi %add3A_23, %mul3A_22 : i32
        %multiple_of3A = tpu.assume_multiple %add3A_24, 8 : i32
        %mul3A_25 = arith.constant 200 : i32
        %mul3A_26 = arith.muli %add3A_20, %mul3A_25 : i32
        %multiple_of3A_27 = tpu.assume_multiple %mul3A_26, 8 : i32
        %dma_start3A = arith.constant 0 : i32
        %dma_start3A_28 = arith.constant 0 : i32
        %dma_start3A_29 = tpu.memref_slice %arg2[%multiple_of3A, %dma_start3A_28] : memref<100000x128xf32, #tpu.memory_space<hbm>> -> memref<200x128xf32, #tpu.memory_space<hbm>>
        %dma_start3A_30 = tpu.memref_slice %run_scoped3A_1[%dma_start3A] : memref<2x!tpu.dma_semaphore, #tpu.memory_space<semaphore_mem>> -> memref<1x!tpu.dma_semaphore, #tpu.memory_space<semaphore_mem>>
        %dma_start3A_31 = tpu.memref_squeeze %dma_start3A_30 : memref<1x!tpu.dma_semaphore, #tpu.memory_space<semaphore_mem>> -> memref<!tpu.dma_semaphore, #tpu.memory_space<semaphore_mem>>
        %dma_start3A_32 = arith.constant 0 : i32
        %dma_start3A_33 = tpu.memref_slice %arg2[%multiple_of3A, %dma_start3A_32] : memref<100000x128xf32, #tpu.memory_space<hbm>> -> memref<200x128xf32, #tpu.memory_space<hbm>>
        tpu.enqueue_dma source(%dma_start3A_33 : memref<200x128xf32, #tpu.memory_space<hbm>>) target(%run_scoped3A : memref<200x128xf32, #tpu.memory_space<vmem>>) target_semaphore(%dma_start3A_31 : memref<!tpu.dma_semaphore, #tpu.memory_space<semaphore_mem>>)
        %dma_start3A_34 = arith.constant 1 : i32
        %dma_start3A_35 = arith.constant 0 : i32
        %dma_start3A_36 = tpu.memref_slice %arg3[%multiple_of3A, %dma_start3A_35] : memref<100000x128xf32, #tpu.memory_space<hbm>> -> memref<200x128xf32, #tpu.memory_space<hbm>>
        %dma_start3A_37 = tpu.memref_slice %run_scoped3A_1[%dma_start3A_34] : memref<2x!tpu.dma_semaphore, #tpu.memory_space<semaphore_mem>> -> memref<1x!tpu.dma_semaphore, #tpu.memory_space<semaphore_mem>>
        %dma_start3A_38 = tpu.memref_squeeze %dma_start3A_37 : memref<1x!tpu.dma_semaphore, #tpu.memory_space<semaphore_mem>> -> memref<!tpu.dma_semaphore, #tpu.memory_space<semaphore_mem>>
        %dma_start3A_39 = arith.constant 0 : i32
        %dma_start3A_40 = tpu.memref_slice %arg3[%multiple_of3A, %dma_start3A_39] : memref<100000x128xf32, #tpu.memory_space<hbm>> -> memref<200x128xf32, #tpu.memory_space<hbm>>
        tpu.enqueue_dma source(%dma_start3A_40 : memref<200x128xf32, #tpu.memory_space<hbm>>) target(%run_scoped3A_0 : memref<200x128xf32, #tpu.memory_space<vmem>>) target_semaphore(%dma_start3A_38 : memref<!tpu.dma_semaphore, #tpu.memory_space<semaphore_mem>>)
        %dma_wait3A = arith.constant 0 : i32
        %dma_wait3A_41 = arith.constant 0 : i32
        %dma_wait3A_42 = tpu.memref_slice %arg2[%multiple_of3A, %dma_wait3A_41] : memref<100000x128xf32, #tpu.memory_space<hbm>> -> memref<200x128xf32, #tpu.memory_space<hbm>>
        %dma_wait3A_43 = tpu.memref_slice %run_scoped3A_1[%dma_wait3A] : memref<2x!tpu.dma_semaphore, #tpu.memory_space<semaphore_mem>> -> memref<1x!tpu.dma_semaphore, #tpu.memory_space<semaphore_mem>>
        %dma_wait3A_44 = tpu.memref_squeeze %dma_wait3A_43 : memref<1x!tpu.dma_semaphore, #tpu.memory_space<semaphore_mem>> -> memref<!tpu.dma_semaphore, #tpu.memory_space<semaphore_mem>>
        %dma_wait3A_45 = arith.constant 0 : i32
        %dma_wait3A_46 = tpu.memref_slice %arg2[%multiple_of3A, %dma_wait3A_45] : memref<100000x128xf32, #tpu.memory_space<hbm>> -> memref<200x128xf32, #tpu.memory_space<hbm>>
        tpu.wait_dma2 semaphore(%dma_wait3A_44 : memref<!tpu.dma_semaphore, #tpu.memory_space<semaphore_mem>>) src(%dma_wait3A_46 : memref<200x128xf32, #tpu.memory_space<hbm>>) dst(%run_scoped3A : memref<200x128xf32, #tpu.memory_space<vmem>>)
        %dma_wait3A_47 = arith.constant 1 : i32
        %dma_wait3A_48 = arith.constant 0 : i32
        %dma_wait3A_49 = tpu.memref_slice %arg3[%multiple_of3A, %dma_wait3A_48] : memref<100000x128xf32, #tpu.memory_space<hbm>> -> memref<200x128xf32, #tpu.memory_space<hbm>>
        %dma_wait3A_50 = tpu.memref_slice %run_scoped3A_1[%dma_wait3A_47] : memref<2x!tpu.dma_semaphore, #tpu.memory_space<semaphore_mem>> -> memref<1x!tpu.dma_semaphore, #tpu.memory_space<semaphore_mem>>
        %dma_wait3A_51 = tpu.memref_squeeze %dma_wait3A_50 : memref<1x!tpu.dma_semaphore, #tpu.memory_space<semaphore_mem>> -> memref<!tpu.dma_semaphore, #tpu.memory_space<semaphore_mem>>
        %dma_wait3A_52 = arith.constant 0 : i32
        %dma_wait3A_53 = tpu.memref_slice %arg3[%multiple_of3A, %dma_wait3A_52] : memref<100000x128xf32, #tpu.memory_space<hbm>> -> memref<200x128xf32, #tpu.memory_space<hbm>>
        tpu.wait_dma2 semaphore(%dma_wait3A_51 : memref<!tpu.dma_semaphore, #tpu.memory_space<semaphore_mem>>) src(%dma_wait3A_53 : memref<200x128xf32, #tpu.memory_space<hbm>>) dst(%run_scoped3A_0 : memref<200x128xf32, #tpu.memory_space<vmem>>)
        %dma_start3A_54 = arith.constant 0 : i32
        %dma_start3A_55 = arith.constant 0 : i32
        %dma_start3A_56 = tpu.memref_slice %arg4[%multiple_of3A_27, %dma_start3A_55] : memref<40000x256xf32, #tpu.memory_space<hbm>> -> memref<200x128xf32, #tpu.memory_space<hbm>>
        %dma_start3A_57 = tpu.memref_slice %run_scoped3A_1[%dma_start3A_54] : memref<2x!tpu.dma_semaphore, #tpu.memory_space<semaphore_mem>> -> memref<1x!tpu.dma_semaphore, #tpu.memory_space<semaphore_mem>>
        %dma_start3A_58 = tpu.memref_squeeze %dma_start3A_57 : memref<1x!tpu.dma_semaphore, #tpu.memory_space<semaphore_mem>> -> memref<!tpu.dma_semaphore, #tpu.memory_space<semaphore_mem>>
        %dma_start3A_59 = arith.constant 0 : i32
        %dma_start3A_60 = tpu.memref_slice %arg4[%multiple_of3A_27, %dma_start3A_59] : memref<40000x256xf32, #tpu.memory_space<hbm>> -> memref<200x128xf32, #tpu.memory_space<hbm>>
        tpu.enqueue_dma source(%run_scoped3A : memref<200x128xf32, #tpu.memory_space<vmem>>) target(%dma_start3A_60 : memref<200x128xf32, #tpu.memory_space<hbm>>) target_semaphore(%dma_start3A_58 : memref<!tpu.dma_semaphore, #tpu.memory_space<semaphore_mem>>)
        %dma_start3A_61 = arith.constant 1 : i32
        %dma_start3A_62 = arith.constant 128 : i32
        %dma_start3A_63 = tpu.memref_slice %arg4[%multiple_of3A_27, %dma_start3A_62] : memref<40000x256xf32, #tpu.memory_space<hbm>> -> memref<200x128xf32, #tpu.memory_space<hbm>>
        %dma_start3A_64 = tpu.memref_slice %run_scoped3A_1[%dma_start3A_61] : memref<2x!tpu.dma_semaphore, #tpu.memory_space<semaphore_mem>> -> memref<1x!tpu.dma_semaphore, #tpu.memory_space<semaphore_mem>>
        %dma_start3A_65 = tpu.memref_squeeze %dma_start3A_64 : memref<1x!tpu.dma_semaphore, #tpu.memory_space<semaphore_mem>> -> memref<!tpu.dma_semaphore, #tpu.memory_space<semaphore_mem>>
        %dma_start3A_66 = arith.constant 128 : i32
        %dma_start3A_67 = tpu.memref_slice %arg4[%multiple_of3A_27, %dma_start3A_66] : memref<40000x256xf32, #tpu.memory_space<hbm>> -> memref<200x128xf32, #tpu.memory_space<hbm>>
        tpu.enqueue_dma source(%run_scoped3A_0 : memref<200x128xf32, #tpu.memory_space<vmem>>) target(%dma_start3A_67 : memref<200x128xf32, #tpu.memory_space<hbm>>) target_semaphore(%dma_start3A_65 : memref<!tpu.dma_semaphore, #tpu.memory_space<semaphore_mem>>)
        %dma_wait3A_68 = arith.constant 0 : i32
        %dma_wait3A_69 = arith.constant 0 : i32
        %dma_wait3A_70 = tpu.memref_slice %arg4[%multiple_of3A_27, %dma_wait3A_69] : memref<40000x256xf32, #tpu.memory_space<hbm>> -> memref<200x128xf32, #tpu.memory_space<hbm>>
        %dma_wait3A_71 = tpu.memref_slice %run_scoped3A_1[%dma_wait3A_68] : memref<2x!tpu.dma_semaphore, #tpu.memory_space<semaphore_mem>> -> memref<1x!tpu.dma_semaphore, #tpu.memory_space<semaphore_mem>>
        %dma_wait3A_72 = tpu.memref_squeeze %dma_wait3A_71 : memref<1x!tpu.dma_semaphore, #tpu.memory_space<semaphore_mem>> -> memref<!tpu.dma_semaphore, #tpu.memory_space<semaphore_mem>>
        %dma_wait3A_73 = arith.constant 0 : i32
        %dma_wait3A_74 = tpu.memref_slice %arg4[%multiple_of3A_27, %dma_wait3A_73] : memref<40000x256xf32, #tpu.memory_space<hbm>> -> memref<200x128xf32, #tpu.memory_space<hbm>>
        tpu.wait_dma2 semaphore(%dma_wait3A_72 : memref<!tpu.dma_semaphore, #tpu.memory_space<semaphore_mem>>) src(%run_scoped3A : memref<200x128xf32, #tpu.memory_space<vmem>>) dst(%dma_wait3A_74 : memref<200x128xf32, #tpu.memory_space<hbm>>)
        %dma_wait3A_75 = arith.constant 1 : i32
        %dma_wait3A_76 = arith.constant 128 : i32
        %dma_wait3A_77 = tpu.memref_slice %arg4[%multiple_of3A_27, %dma_wait3A_76] : memref<40000x256xf32, #tpu.memory_space<hbm>> -> memref<200x128xf32, #tpu.memory_space<hbm>>
        %dma_wait3A_78 = tpu.memref_slice %run_scoped3A_1[%dma_wait3A_75] : memref<2x!tpu.dma_semaphore, #tpu.memory_space<semaphore_mem>> -> memref<1x!tpu.dma_semaphore, #tpu.memory_space<semaphore_mem>>
        %dma_wait3A_79 = tpu.memref_squeeze %dma_wait3A_78 : memref<1x!tpu.dma_semaphore, #tpu.memory_space<semaphore_mem>> -> memref<!tpu.dma_semaphore, #tpu.memory_space<semaphore_mem>>
        %dma_wait3A_80 = arith.constant 128 : i32
        %dma_wait3A_81 = tpu.memref_slice %arg4[%multiple_of3A_27, %dma_wait3A_80] : memref<40000x256xf32, #tpu.memory_space<hbm>> -> memref<200x128xf32, #tpu.memory_space<hbm>>
        tpu.wait_dma2 semaphore(%dma_wait3A_79 : memref<!tpu.dma_semaphore, #tpu.memory_space<semaphore_mem>>) src(%run_scoped3A_0 : memref<200x128xf32, #tpu.memory_space<vmem>>) dst(%dma_wait3A_81 : memref<200x128xf32, #tpu.memory_space<hbm>>)
      }
      tpu.yield
    }) : () -> ()
    return
  }
}

module attributes {stable_mosaic.version = 14 : i64} {
  func.func @_tc_block_body(%arg0: i32, %arg1: memref<4000x128xf32, #tpu.memory_space<vmem>>, %arg2: memref<4000x128xf32, #tpu.memory_space<vmem>>, %arg3: memref<4000x256xf32, #tpu.memory_space<vmem>>, %arg4: memref<!tpu.dma_semaphore, #tpu.memory_space<semaphore_mem>>, %arg5: memref<!tpu.dma_semaphore, #tpu.memory_space<semaphore_mem>>) attributes {dimension_semantics = [#tpu.dimension_semantics<arbitrary>], iteration_bounds = array<i64: 15>, scalar_prefetch = 0 : i64, scratch_operands = 2 : i64, tpu.core_type = #tpu.core_type<tc>, window_params = [{transform_indices = @transform_0, window_bounds = array<i64: 4000, 128>}, {transform_indices = @transform_1, window_bounds = array<i64: 4000, 128>}, {transform_indices = @transform_2, window_bounds = array<i64: 4000, 256>}]} {
    %dma_start3A = arith.constant 0 : i32
    %dma_start3A_0 = arith.constant 0 : i32
    %dma_start3A_1 = tpu.memref_slice %arg3[%dma_start3A, %dma_start3A_0] : memref<4000x256xf32, #tpu.memory_space<vmem>> -> memref<4000x128xf32, #tpu.memory_space<vmem>>
    tpu.enqueue_dma source(%arg1 : memref<4000x128xf32, #tpu.memory_space<vmem>>) target(%dma_start3A_1 : memref<4000x128xf32, #tpu.memory_space<vmem>>) target_semaphore(%arg4 : memref<!tpu.dma_semaphore, #tpu.memory_space<semaphore_mem>>)
    %dma_start3A_2 = arith.constant 0 : i32
    %dma_start3A_3 = arith.constant 128 : i32
    %dma_start3A_4 = tpu.memref_slice %arg3[%dma_start3A_2, %dma_start3A_3] : memref<4000x256xf32, #tpu.memory_space<vmem>> -> memref<4000x128xf32, #tpu.memory_space<vmem>>
    tpu.enqueue_dma source(%arg2 : memref<4000x128xf32, #tpu.memory_space<vmem>>) target(%dma_start3A_4 : memref<4000x128xf32, #tpu.memory_space<vmem>>) target_semaphore(%arg5 : memref<!tpu.dma_semaphore, #tpu.memory_space<semaphore_mem>>)
    %dma_wait3A = arith.constant 0 : i32
    %dma_wait3A_5 = arith.constant 0 : i32
    %dma_wait3A_6 = tpu.memref_slice %arg3[%dma_wait3A, %dma_wait3A_5] : memref<4000x256xf32, #tpu.memory_space<vmem>> -> memref<4000x128xf32, #tpu.memory_space<vmem>>
    tpu.wait_dma2 semaphore(%arg4 : memref<!tpu.dma_semaphore, #tpu.memory_space<semaphore_mem>>) src(%arg1 : memref<4000x128xf32, #tpu.memory_space<vmem>>) dst(%dma_wait3A_6 : memref<4000x128xf32, #tpu.memory_space<vmem>>)
    %dma_wait3A_7 = arith.constant 0 : i32
    %dma_wait3A_8 = arith.constant 128 : i32
    %dma_wait3A_9 = tpu.memref_slice %arg3[%dma_wait3A_7, %dma_wait3A_8] : memref<4000x256xf32, #tpu.memory_space<vmem>> -> memref<4000x128xf32, #tpu.memory_space<vmem>>
    tpu.wait_dma2 semaphore(%arg5 : memref<!tpu.dma_semaphore, #tpu.memory_space<semaphore_mem>>) src(%arg2 : memref<4000x128xf32, #tpu.memory_space<vmem>>) dst(%dma_wait3A_9 : memref<4000x128xf32, #tpu.memory_space<vmem>>)
    return
  }
  func.func @transform_0(%arg0: i32) -> (i32, i32) {
    %c0_i32 = arith.constant 0 : i32
    %c0_i32_0 = arith.constant 0 : i32
    return %arg0, %c0_i32 : i32, i32
  }
  func.func @transform_1(%arg0: i32) -> (i32, i32) {
    %c0_i32 = arith.constant 0 : i32
    %c0_i32_0 = arith.constant 0 : i32
    return %arg0, %c0_i32 : i32, i32
  }
  func.func @transform_2(%arg0: i32) -> (i32, i32) {
    %c0_i32 = arith.constant 0 : i32
    %c0_i32_0 = arith.constant 0 : i32
    return %arg0, %c0_i32 : i32, i32
  }
}

</mosaic_0001>

<sc_bundles>
// kernel: kernel.4.cloned.1.call-start
scs
__scs_entry_jumppad:
0x0: {  	(pc) =	sbr.rel $0x88, $3  }
0x1: {  	(tag) =	ssettag $0x0;
	lr =	simm.s32 $0x1  }
0x2: {  	[smem:$0x3F9F] =	sst lr;
	_ =	strace $0xD0000000  }
0x3: {  	_ = 	snop  }
0x4: {  	_ = 	snop  }
0x5: {  	_ = 	snop  }
0x6: {  	_ = 	snop  }
0x7: {  	_ = 	snop  }
__scs_overlays_trampoline_lowered:
0x8: {  	[smem:$0x3FAE] =	sst s0  }
0x9: {  	[smem:$0x3FAF] =	sst s1  }
0xa: {  	[smem:$0x3FB0] =	sst s2  }
0xb: {  	[smem:$0x3FB1] =	sst s3  }
0xc: {  	[smem:$0x3FB2] =	sst s4  }
0xd: {  	[smem:$0x3FB3] =	sst s5  }
0xe: {  	[smem:$0x3FB4] =	sst s6  }
0xf: {  	[smem:$0x3FB5] =	sst s7  }
0x10: {  	[smem:$0x3FB6] =	sst s8  }
0x11: {  	[smem:$0x3FB7] =	sst s9;
	s0 =	simm.s32 @!p0 $0x0  }
0x12: {  	s1 =	sld [smem:$0x3F9D];
	s0 =	simm.s32 @p0 $0x1  }
0x13: {  	[smem:$0x3FB8] =	sst s0;
	s0 =	simm.s32 @!p1 $0x0  }
0x14: {  	s2 =	sld [smem:$0x3F9C];
	s0 =	simm.s32 @p1 $0x1  }
0x15: {  	[smem:$0x3FB9] =	sst s0;
	s0 =	simm.s32 @!p2 $0x0  }
0x16: {  	s3 =	sld [smem:$0x3FDB];
	s0 =	simm.s32 @p2 $0x1  }
0x17: {  	s4 =	simm.s32 $0x1BF5;
	[smem:$0x3FBB] =	sst s0  }
0x18: {  	s0 =	sld [smem:$0x3F9E];
	_ =	swait.ge [sflag:s4], $0x0  }
0x19: {  	s7 =	sld [smem:$0x3F9F]  }
0x1a: {  	s8 =	sadd.s32 $0xFFFFE003, lr  }
0x1b: {  	s9 =	sadd.s32 $0xFFFFFEF7, lr;
	s5 =	simm.s32 $0xFFFFFFFF;
	p2 =	slt.u32 s8, $0xFFFFF086  }
0x1c: {  	p1 =	slt.u32 s9, $0xF7A;
	s5 =	simm.s32 @!p2 $0x0  }
0x1d: {  	s5 =	simm.s32 @p1 $0x1;
	p0 =	seq.s32 s7, s2  }
0x1e: {  	s7 =	smul.u32 @!p0 $0xF7A, s2;
	p2 =	seq.s32 @!p0 s5, $0x0  }
0x1f: {  	s9 =	smul.u32 $0xF7A, s1;
	s8 =	simm.s32 @!p0 $0x1BF5;
	p2 =	por !p2, p0  }
0x20: {  	[sflag:s8] =	ssyncset.s32 @!p0 $0xFFFFF086;
	s6 =	sadd.s32 @!p0 s3, s7;
	s7 =	simm.s32 @!p0 $0x108  }
0x21: {  	s3 =	sadd.s32 s3, s9;
	s6 =	sadd.s32 @!p0 $0x88, s6;
	s7 =	simm.s32 @p2 $0x1082  }
0x22: {  	[simem:s7], [sflag:s8] =	dma.local @!p0 [hbm:s6], $0xF7A  }
0x23: {  	s9 =	sor.u32 $0xD0000000, s2;
	s6 =	simm.s32 $0x108;
	_ =	swait.ge @!p0 [sflag:s8], $0x0  }
0x24: {  	s3 =	sadd.s32 $0x88, s3;
	s6 =	simm.s32 @!p1 $0x1082;
	[sflag:s4] =	ssyncset.s32 $0xFFFFF086  }
0x25: {  	[simem:s6], [sflag:s4] =	dma.local [hbm:s3], $0xF7A  }
0x26: {  	[smem:$0x3F9F] =	sst s1;
	(tag) =	ssettag s2;
	_ =	strace s9  }
0x27: {  	s1 =	sld [smem:$0x3FAF]  }
0x28: {  	s2 =	sld [smem:$0x3FB0]  }
0x29: {  	s4 =	sld [smem:$0x3FB2]  }
0x2a: {  	p0 =	seq.s32 s5, $0x0;
	s5 =	sld [smem:$0x3FB3]  }
0x2b: {  	s6 =	sld [smem:$0x3FB4]  }
0x2c: {  	s7 =	sld [smem:$0x3FB5]  }
0x2d: {  	s3 =	simm.s32 $0x108;
	s8 =	sld [smem:$0x3FB6]  }
0x2e: {  	s3 =	simm.s32 @!p0 $0x1082;
	s9 =	sld [smem:$0x3FB7]  }
0x2f: {  	lr =	sadd.s32 s0, s3;
	s0 =	sld [smem:$0x3FAE]  }
0x30: {  	s3 =	sld [smem:$0x3FB1]  }
0x31: {  	[smem:$0x3FBA] =	sst s10  }
0x32: {  	s10 =	sld [smem:$0x3FB8];
	_ =	sdelay $0x3  }
0x33: {  	p0 =	seq.s32 s10, $0x1;
	s10 =	sld [smem:$0x3FBA];
	_ =	sdelay $0x3  }
0x34: {  	[smem:$0x3FBA] =	sst s10  }
0x35: {  	s10 =	sld [smem:$0x3FB9];
	_ =	sdelay $0x3  }
0x36: {  	p1 =	seq.s32 s10, $0x1;
	s10 =	sld [smem:$0x3FBA];
	_ =	sdelay $0x3  }
0x37: {  	[smem:$0x3FBA] =	sst s10  }
0x38: {  	s10 =	sld [smem:$0x3FBB]  }
0x39: {  	_ = 	snop;
	(pc) =	sbr.ind lr, $3  }
0x3a: {  	_ = 	snop  }
0x3b: {  	_ = 	snop  }
0x3c: {  	p2 =	seq.s32 s10, $0x1;
	s10 =	sld [smem:$0x3FBA]  }
0x3d: {  	_ =	shalt  }
0x3e: {  	_ =	shalt  }
0x3f: {  	_ =	shalt  }
0x40: {  	_ =	shalt  }
0x41: {  	_ =	shalt  }
0x42: {  	_ =	shalt  }
0x43: {  	_ =	shalt  }
0x44: {  	_ =	shalt  }
0x45: {  	_ =	shalt  }
0x46: {  	_ =	shalt  }
0x47: {  	_ =	shalt  }
0x48: {  	_ =	shalt  }
0x49: {  	_ =	shalt  }
0x4a: {  	_ =	shalt  }
0x4b: {  	_ =	shalt  }
0x4c: {  	_ =	shalt  }
0x4d: {  	_ =	shalt  }
0x4e: {  	_ =	shalt  }
0x4f: {  	_ =	shalt  }
0x50: {  	_ =	shalt  }
0x51: {  	_ =	shalt  }
0x52: {  	_ =	shalt  }
0x53: {  	_ =	shalt  }
0x54: {  	_ =	shalt  }
0x55: {  	_ =	shalt  }
0x56: {  	_ =	shalt  }
0x57: {  	_ =	shalt  }
0x58: {  	_ =	shalt  }
0x59: {  	_ =	shalt  }
0x5a: {  	_ =	shalt  }
0x5b: {  	_ =	shalt  }
0x5c: {  	_ =	shalt  }
0x5d: {  	_ =	shalt  }
0x5e: {  	_ =	shalt  }
0x5f: {  	_ =	shalt  }
0x60: {  	_ =	shalt  }
0x61: {  	_ =	shalt  }
0x62: {  	_ =	shalt  }
0x63: {  	_ =	shalt  }
0x64: {  	_ =	shalt  }
0x65: {  	_ =	shalt  }
0x66: {  	_ =	shalt  }
0x67: {  	_ =	shalt  }
0x68: {  	_ =	shalt  }
0x69: {  	_ =	shalt  }
0x6a: {  	_ =	shalt  }
0x6b: {  	_ =	shalt  }
0x6c: {  	_ =	shalt  }
0x6d: {  	_ =	shalt  }
0x6e: {  	_ =	shalt  }
0x6f: {  	_ =	shalt  }
0x70: {  	_ =	shalt  }
0x71: {  	_ =	shalt  }
0x72: {  	_ =	shalt  }
0x73: {  	_ =	shalt  }
0x74: {  	_ =	shalt  }
0x75: {  	_ =	shalt  }
0x76: {  	_ =	shalt  }
0x77: {  	_ =	shalt  }
0x78: {  	_ =	shalt  }
0x79: {  	_ =	shalt  }
0x7a: {  	_ =	shalt  }
0x7b: {  	_ =	shalt  }
0x7c: {  	_ =	shalt  }
0x7d: {  	_ =	shalt  }
0x7e: {  	_ =	shalt  }
0x7f: {  	_ =	shalt  }
0x80: {  	_ =	shalt  }
0x81: {  	_ =	shalt  }
0x82: {  	_ =	shalt  }
0x83: {  	_ =	shalt  }
0x84: {  	_ =	shalt  }
0x85: {  	_ =	shalt  }
0x86: {  	_ =	shalt  }
0x87: {  	_ =	shalt  }
.Lfunc_end0:
.L_simem_size_0:
called_computation_lowered:
.L_overlay_start_0:
0x88: {  	s2 =	sld [smem:$0x3FD9]  }
0x89: {  	s3 =	sld [smem:$0x3FFE];
	_ =	sdelay $0x1  }
0x8a: {  	s1 =	srdreg.scid  }
0x8b: {  	s0 =	sand.u32 $0x1, s1  }
0x8c: {  	s17 =	sshll.u32 s0, $0xA;
	s2 =	sadd.s32 s3, s2  }
0x8d: {  	s2 =	sadd.s32 s2, s17  }
0x8e: {  	[smem:$0x3FC6] =	sst s2  }
0x8f: {  	_ = 	snop  }
0x90: {  	s2 =	sld [smem:$0x3FC9]  }
0x91: {  	s18 =	sld [smem:$0x3FC8];
	(tm) =	ssettm $0x1  }
0x92: {  	s4 =	sld [smem:$0x3FFB];
	_ =	sdelay $0x3  }
0x93: {  	_ =	strace s4  }
0x94: {  	s4 =	sld [smem:$0x3FFC];
	_ =	sdelay $0x3  }
0x95: {  	_ =	strace s4  }
0x96: {  	s4 =	sld [smem:$0x3FFD];
	_ =	sdelay $0x3  }
0x97: {  	_ =	strace s4  }
0x98: {  	_ =	strace $0x8FFFFFFF  }
0x99: {  	s19 =	sld [smem:$0x3FDB];
	_ =	sdelay $0x1  }
0x9a: {  	s5 =	simm.s32 $_scs_section_size  }
0x9b: {  	s6 =	simm.s32 $_size__tile_overlayer_lowered;
	s7 =	simm.s32 $_tile_overlayer_lowered  }
0x9c: {  	s22 =	simm.s32 $0x1BFF;
	s21 =	sshll.u32 s7, $0x1;
	s4 =	sadd.s32 s5, s19  }
0x9d: {  	s8 =	simm.s32 $0x0;
	s20 =	sshll.u32 s6, $0x1;
	s6 =	sadd.s32 s21, s4  }
0x9e: {  	[timem:s8], [sflag:s22] =	dma.local [hbm:s6], s20  }
0x9f: {  	_ =	swait.ge [sflag:s22], s20  }
0xa0: {  	s5 =	ssub.s32 $0x0, s20;
	[sflag:s22] =	ssyncset.done $0x0  }
0xa1: {  	[sflag:s22] =	ssyncadd.s32 s5;
	_ =	sdelay $0x1  }
0xa2: {  	s23 =	simm.s32 $0x1B8B  }
0xa3: {  	_ =	swait.ge [sflag:s23], $0x1  }
0xa4: {  	[sflag:s23] =	ssyncset.done $0x0  }
0xa5: {  	s25 =	simm.s32 $0x1B8E;
	s24 =	sld [smem:$0x3FFE];
	[sflag:s23] =	ssyncadd.s32 $0xFFFFFFFF  }
0xa6: {  	s26 =	simm.s32 $execute0_lowered;
	[smem:$0x3FD2] =	sst s25  }
0xa7: {  	s6 =	sshll.u32 s26, $0x1;
	_ =	strace $0x80000046;
	[dreg:$0x1] =	wrdreg $0xFFFFFFFF  }
0xa8: {  	s28 =	simm.s32 $_size_execute0_lowered;
	s4 =	sadd.s32 s4, s6;
	[dreg:$0x0] =	wrdreg $0x0  }
0xa9: {  	s6 =	sshll.u32 s28, $0x1;
	[dreg:$0x2] =	wrdreg s4  }
0xaa: {  	[dreg:$0x3] =	wrdreg s6  }
0xab: {  	[dreg:$0x4] =	wrdreg $0xC0  }
0xac: {  	_ =	task [dreg:s8], $0x5FFFF  }
0xad: {  	[dreg:$0x1] =	wrdreg $0xFFFFFFFF  }
0xae: {  	[dreg:$0x0] =	wrdreg $0x60  }
0xaf: {  	[dreg:$0x2] =	wrdreg s2  }
0xb0: {  	[dreg:$0x3] =	wrdreg s18  }
0xb1: {  	[dreg:$0x4] =	wrdreg s24  }
0xb2: {  	[dreg:$0x5] =	wrdreg $0x9  }
0xb3: {  	_ =	task.clear_ibuf [dreg:s8], $0x6FFFF;
	_ =	strace $0x90000046  }
0xb4: {  	s29 =	simm.s32 $0x9;
	_ =	strace $0x80000048  }
0xb5: {  	_ =	swait.ge [sflag:s29], $0x1  }
0xb6: {  	[sflag:s29] =	ssyncadd.s32 $0xFFFFFFFF  }
0xb7: {  	_ =	strace $0x90000048  }
0xb8: {  	_ =	sfence  }
0xb9: {  	s30 =	sld [smem:$0x0];
	_ =	sdelay $0x2  }
0xba: {  	s31 =	sshll.u32 s1, $0xD;
	s1 =	sshrl.u32 s1, $0x2  }
0xbb: {  	s3 =	sand.u32 $0x4000, s31;
	s1 =	sadd.s32 s1, s30  }
0xbc: {  	s0 =	sor.u32 s3, s0;
	s1 =	sshll.u32 s1, $0x11  }
0xbd: {  	s0 =	sor.u32 s1, s0  }
0xbe: {  	s0 =	sadd.s32 $0x8F2B, s0  }
0xbf: {  	[sflag:s0] =	ssyncadd.remote.s32 $0x1  }
0xc0: {  	_ =	sfence.sel $0xFFFF  }
0xc1: {  	[dreg:$0x0] =	wrdreg $0xFFFFFFFF;
	(pc) =	sbr.abs _section_cstart, $3  }
0xc2: {  	[dreg:$0x1] =	wrdreg $0xFFFFFFFF  }
0xc3: {  	_ =	task.clear_ibuf [dreg:s8], $0x2FFFF;
	_ =	strace $0x9FFFFFFF  }
0xc4: {  	(tm) =	ssettm $0x7FFFFFFF  }
0xc5: {  	_ =	shalt  }
tec
execute0_lowered:
.L_overlay_start_1:
0x0: {  	(tag) =	ssettag $0x1  }
0x1: {  	s1 =	rddreg [dreg:$0x0]  }
0x2: {  	s2 =	rddreg [dreg:$0x1]  }
0x3: {  	s6 =	rddreg [dreg:$0x2]  }
0x4: {  	s0 =	rddreg [dreg:$0x3];
	s3 =	simm.s32 $0x0;
	s4 =	srdreg.scid  }
0x5: {  	s14 =	simm.s32 $0x400;
	s15 =	simm.s32 $0x800;
	s16 =	simm.s32 $0x0  }
0x6: {  	[smem:$0x7FF] =	sst s3;
	s7 =	sand.u32 $0x1, s4;
	s4 =	stileid.u32  }
0x7: {  	s5 =	sadd.s32 $0x400, s6;
	s6 =	sadd.s32 $0x480, s6;
	s9 =	smul.u32 $0x64000, s7  }
0x8: {  	_ =	strace $0x80000047;
	s8 =	ssub.s32 $0x2, s7;
	s11 =	smul.u32 $0x6400, s4  }
0x9: {  	s30 =	sshll.u32 s7, $0x4;
	s12 =	smul.u32 $0xC8000, s7;
	s10 =	sshrl.u32 s8, $0x1  }
0xa: {  	s13 =	smul.u32 $0xC800, s4;
	s8 =	ssub.s32 s8, s10;
	s10 =	sor.u32 s30, s4  }
0xb: {  	s9 =	sadd.s32 s11, s9;
	s11 =	simm.s32 $0x6400;
	s7 =	smax.u32 s8, $0x1  }
0xc: {  	s31 =	ssub.s32 $0xE7, s10;
	s9 =	sadd.s32 $0x753000, s9;
	s10 =	sadd.s32 s13, s12  }
0xd: {  	s12 =	simm.s32 $0x1;
	s13 =	simm.s32 $0x2;
	s8 =	sshrl.u32 s31, $0x5  }
.LBB2_1:
0xe: {  	p1 =	sne.s32 s8, $0x1  }
.Ltmp0:
0xf: {  	_ = 	snop;
	(pc) =	sbr.rel @!p1 .LBB2_2-.Ltmp0, $2  }
0x10: {  	_ =	sdelay $0x2  }
0x11: {  	s17 =	sadd.s32 $0xFFFFFFFF, s8;
	s20 =	sshrl.u32 s9, $0x3;
	p0 =	por $0x0, $0x0  }
0x12: {  	s18 =	sadd.s32 s1, s20  }
0x13: {  	[tilespmem:s3], [sflag:$0x1] =	stream.linear.gather [hbm4b:s18+s3], $0x6400, $0x38;
	[tilespmem:$0xC800] =	vst v63  }
0x14: {  	s30 =	sadd.s32 s2, s20  }
0x15: {  	[tilespmem:s11], [sflag:$0x2] =	stream.linear.gather [hbm4b:s30+s3], $0x6400, $0x38;
	[tilespmem:$0xC800] =	vst v63  }
0x16: {  	_ =	swait.ge [sflag:s12], $0x6400  }
0x17: {  	[sflag:s12] =	ssyncset.done $0x0  }
0x18: {  	[sflag:s12] =	ssyncadd.s32 $0xFFFF9C00  }
0x19: {  	_ =	swait.ge [sflag:s13], $0x6400  }
0x1a: {  	s31 =	sshrl.u32 s10, $0x3;
	[sflag:s13] =	ssyncset.done $0x0  }
0x1b: {  	s19 =	sadd.s32 s5, s31;
	[sflag:s13] =	ssyncadd.s32 $0xFFFF9C00  }
0x1c: {  	[hbm4b:s19+s14] =	stream.strided.scatter [tilespmem:s3], [sflag:$0x1], $0x6400, s15, s14, $0x38;
	[tilespmem:$0xC800] =	vst v63  }
0x1d: {  	p1 =	sne.s32 s17, $0x1;
	s18 =	sadd.s32 s31, s6  }
0x1e: {  	[hbm4b:s18+s14] =	stream.strided.scatter [tilespmem:s11], [sflag:$0x2], $0x6400, s15, s14, $0x38;
	[tilespmem:$0xC800] =	vst v63  }
.Ltmp1:
0x1f: {  	_ =	swait.ge [sflag:s12], $0x6400;
	(pc) =	sbr.rel @!p1 .LBB2_4-.Ltmp1, $4  }
0x20: {  	[sflag:s12] =	ssyncset.done $0x0  }
0x21: {  	s19 =	sadd.s32 $0xC8000, s9;
	[sflag:s12] =	ssyncadd.s32 $0xFFFF9C00  }
0x22: {  	p0 =	por $0x1, $0x1;
	s20 =	sshrl.u32 s19, $0x3;
	_ =	swait.ge [sflag:s13], $0x6400  }
0x23: {  	s18 =	sadd.s32 $0xFFFFFFFF, s17;
	s17 =	smov.u32 s10;
	[sflag:s13] =	ssyncset.done $0x0  }
.LBB2_5:
0x24: {  	s21 =	sadd.s32 s1, s20;
	[sflag:s13] =	ssyncadd.s32 $0xFFFF9C00;
	s17 =	sadd.s32 $0x190000, s17  }
0x25: {  	[tilespmem:s3], [sflag:$0x1] =	stream.linear.gather [hbm4b:s21+s3], $0x6400, $0x38;
	[tilespmem:$0xC800] =	vst v63  }
0x26: {  	p1 =	sne.s32 s18, $0x1;
	s18 =	sadd.s32 $0xFFFFFFFF, s18;
	s20 =	sadd.s32 s2, s20  }
0x27: {  	[tilespmem:s11], [sflag:$0x2] =	stream.linear.gather [hbm4b:s20+s3], $0x6400, $0x38;
	[tilespmem:$0xC800] =	vst v63  }
0x28: {  	_ =	swait.ge [sflag:s12], $0x6400  }
0x29: {  	[sflag:s12] =	ssyncset.done $0x0  }
0x2a: {  	[sflag:s12] =	ssyncadd.s32 $0xFFFF9C00  }
0x2b: {  	_ =	swait.ge [sflag:s13], $0x6400  }
0x2c: {  	s20 =	sshrl.u32 s17, $0x3;
	[sflag:s13] =	ssyncset.done $0x0  }
0x2d: {  	s21 =	sadd.s32 s5, s20;
	[sflag:s13] =	ssyncadd.s32 $0xFFFF9C00  }
0x2e: {  	[hbm4b:s21+s14] =	stream.strided.scatter [tilespmem:s3], [sflag:$0x1], $0x6400, s15, s14, $0x38;
	[tilespmem:$0xC800] =	vst v63  }
0x2f: {  	s20 =	sadd.s32 s20, s6  }
0x30: {  	[hbm4b:s20+s14] =	stream.strided.scatter [tilespmem:s11], [sflag:$0x2], $0x6400, s15, s14, $0x38;
	[tilespmem:$0xC800] =	vst v63  }
.Ltmp2:
0x31: {  	_ =	swait.ge [sflag:s12], $0x6400;
	(pc) =	sbr.rel @p1 .LBB2_5-.Ltmp2, $4  }
0x32: {  	[sflag:s12] =	ssyncset.done $0x0  }
0x33: {  	[sflag:s12] =	ssyncadd.s32 $0xFFFF9C00  }
0x34: {  	s19 =	sadd.s32 $0xC8000, s19;
	_ =	swait.ge [sflag:s13], $0x6400  }
0x35: {  	s20 =	sshrl.u32 s19, $0x3;
	[sflag:s13] =	ssyncset.done $0x0  }
.LBB2_6:
0x36: {  	s18 =	sadd.s32 s1, s20;
	[sflag:s13] =	ssyncadd.s32 @p0 $0xFFFF9C00  }
0x37: {  	[tilespmem:s3], [sflag:$0x1] =	stream.linear.gather [hbm4b:s18+s3], $0x6400, $0x38;
	[tilespmem:$0xC800] =	vst v63  }
0x38: {  	s31 =	sadd.s32 s2, s20  }
0x39: {  	[tilespmem:s11], [sflag:$0x2] =	stream.linear.gather [hbm4b:s31+s3], $0x6400, $0x38;
	[tilespmem:$0xC800] =	vst v63  }
0x3a: {  	_ =	swait.ge [sflag:s12], $0x6400  }
0x3b: {  	[sflag:s12] =	ssyncset.done $0x0  }
0x3c: {  	s17 =	sadd.s32 @p0 $0x190000, s17;
	s18 =	smov.u32 s10;
	[sflag:s12] =	ssyncadd.s32 $0xFFFF9C00  }
0x3d: {  	s18 =	smov.u32 @p0 s17;
	_ =	swait.ge [sflag:s13], $0x6400  }
0x3e: {  	s17 =	sshrl.u32 s18, $0x3;
	[sflag:s13] =	ssyncset.done $0x0  }
0x3f: {  	s18 =	sadd.s32 s5, s17;
	[sflag:s13] =	ssyncadd.s32 $0xFFFF9C00  }
0x40: {  	[hbm4b:s18+s14] =	stream.strided.scatter [tilespmem:s3], [sflag:$0x1], $0x6400, s15, s14, $0x38;
	[tilespmem:$0xC800] =	vst v63  }
0x41: {  	s16 =	sadd.s32 $0x1, s16;
	s17 =	sadd.s32 s17, s6  }
0x42: {  	[hbm4b:s17+s14] =	stream.strided.scatter [tilespmem:s11], [sflag:$0x2], $0x6400, s15, s14, $0x38;
	[tilespmem:$0xC800] =	vst v63  }
0x43: {  	p0 =	sne.s32 s16, s7;
	_ =	swait.ge [sflag:s12], $0x6400  }
.Ltmp3:
0x44: {  	[sflag:s12] =	ssyncset.done $0x0;
	(pc) =	sbr.rel @p0 .LBB2_1-.Ltmp3, $4  }
.Ltmp4:
0x45: {  	[sflag:s12] =	ssyncadd.s32 $0xFFFF9C00;
	(pc) =	sbr.rel @!p0 .LBB2_7-.Ltmp4, $4  }
0x46: {  	_ =	swait.ge [sflag:s13], $0x6400  }
0x47: {  	[sflag:s13] =	ssyncset.done $0x0  }
0x48: {  	[sflag:s13] =	ssyncadd.s32 $0xFFFF9C00  }
0x49: {  	_ = 	snop  }
.LBB2_2:
.Ltmp5:
0x4a: {  	(pc) =	sbr.rel .LBB2_6-.Ltmp5, $2  }
0x4b: {  	_ =	sdelay $0x2  }
0x4c: {  	s17 =	smov.u32 s10  }
.LBB2_4:
.Ltmp6:
0x4d: {  	(pc) =	sbr.rel .LBB2_6-.Ltmp6, $2  }
0x4e: {  	_ =	sdelay $0x2  }
0x4f: {  	s17 =	smov.u32 s10  }
.LBB2_7:
0x50: {  	_ =	sfence.sel $0x180000  }
0x51: {  	[bflag:$0x0] =	sbarrier.arrive $0xFFFF  }
0x52: {  	p0 =	sne.s32 s4, $0x0;
	_ =	strace $0x90000047  }
0x53: {  	s0 =	sadd.s32 @!p0 $0x100000, s0;
	[bflag:$0x2] =	sbarrier.arrive $0xFFFF  }
0x54: {  	[sflag:s0] =	ssyncadd.tile.s32 @!p0 $0x1;
	_ =	shalt  }
.Lfunc_end2:
_tile_overlayer_lowered:
.L_overlay_start_2:
0x55: {  	(tag) =	ssettag $0x2  }
0x56: {  	s0 =	rddreg [dreg:$0x0];
	s2 =	stileid.u32  }
0x57: {  	s1 =	rddreg [dreg:$0x1];
	p0 =	sne.s32 s2, $0x0  }
0x58: {  	s3 =	rddreg [dreg:$0x2];
	[bflag:$0x3] =	sbarrier.arrive $0xFFFF;
	s2 =	simm.s32 @!p0 $0x1C01  }
0x59: {  	[timem:s3], [sflag:s2] =	dma.local @!p0 [hbm:s0], s1  }
0x5a: {  	s0 =	simm.s32 @!p0 $0x1  }
0x5b: {  	_ =	swait.ge @!p0 [sflag:s0], s1  }
0x5c: {  	s1 =	ssub.s32 @!p0 $0x0, s1;
	[sflag:s0] =	ssyncset.done @!p0 $0x0  }
0x5d: {  	[sflag:s0] =	ssyncadd.s32 @!p0 s1  }
0x5e: {  	[bflag:$0x3] =	sbarrier.arrive $0xFFFF  }
0x5f: {  	_ =	shalt  }

</sc_bundles>
